<compile_context>
chip_gen: v7x
topology: tpu7x:2x2x1
jax: 0.10.2.dev20260603
libtpu: 0.0.44.dev20260713+nightly
codegen_flags: <defaults>
</compile_context>

<pallas_src>
import jax
import jax.numpy as jnp
from jax import lax
from jax.experimental import pallas as pl
from jax.experimental.pallas import tpu as pltpu
from jax.experimental.pallas import tpu_sc as plsc

N_PROMPT = 170
SEQ = 512
TOK = SEQ - N_PROMPT
BSZ = 1024
D = 128
NC, NS = 2, 16
NW = NC * NS
B_PER_W = BSZ // NW
IDXROW = 344


def _body(idx_hbm, table_hbm, pna, p1, p2, p3, p4, p5, psep, out_hbm,
          idx_v, prompt_v, bufs, gsems, wsems):
    c = lax.axis_index("c")
    s = lax.axis_index("s")
    wid = s * NC + c
    b0 = wid * B_PER_W

    pltpu.sync_copy(pna, prompt_v.at[pl.ds(0, 1)])
    pltpu.sync_copy(p1, prompt_v.at[pl.ds(1, 34)])
    pltpu.sync_copy(p2, prompt_v.at[pl.ds(35, 34)])
    pltpu.sync_copy(p3, prompt_v.at[pl.ds(69, 34)])
    pltpu.sync_copy(p4, prompt_v.at[pl.ds(103, 33)])
    pltpu.sync_copy(p5, prompt_v.at[pl.ds(136, 33)])
    pltpu.sync_copy(psep, prompt_v.at[pl.ds(169, 1)])

    pltpu.sync_copy(idx_hbm.at[pl.ds(b0, B_PER_W)], idx_v)

    def fire_gather(i, r):
        pltpu.async_copy(table_hbm.at[idx_v.at[i]], bufs[r], gsems[r])

    def gwait(i, r):
        pltpu.make_async_copy(table_hbm.at[idx_v.at[i]],
                              bufs[r], gsems[r]).wait()

    def fire_writes(i, r):
        b = b0 + i
        pltpu.async_copy(bufs[r].at[pl.ds(0, TOK)],
                         out_hbm.at[pl.ds(b * SEQ, TOK)], wsems[r])
        pltpu.async_copy(prompt_v,
                         out_hbm.at[pl.ds(b * SEQ + TOK, N_PROMPT)],
                         wsems[r])

    def wait_writes(i, r):
        b = b0 + i
        pltpu.make_async_copy(bufs[r].at[pl.ds(0, TOK)],
                              out_hbm.at[pl.ds(b * SEQ, TOK)],
                              wsems[r]).wait()
        pltpu.make_async_copy(prompt_v,
                              out_hbm.at[pl.ds(b * SEQ + TOK, N_PROMPT)],
                              wsems[r]).wait()

    fire_gather(0, 0)
    fire_gather(1, 1)

    def round_body(t, last):
        for r in range(2):
            i = 2 * t + r
            gwait(i, r)
            fire_writes(i, r)
            if not last:
                wait_writes(i, r)
                fire_gather(i + 2, r)
        return 0

    lax.fori_loop(0, B_PER_W // 2 - 1,
                  lambda t, u: round_body(t, False), 0)
    round_body(B_PER_W // 2 - 1, True)
    wait_writes(B_PER_W - 2, 0)
    wait_writes(B_PER_W - 1, 1)


_sc_call = pl.kernel(
    _body,
    out_type=jax.ShapeDtypeStruct((BSZ * SEQ, D), jnp.float32),
    mesh=plsc.VectorSubcoreMesh(
        core_axis_name="c", subcore_axis_name="s",
        num_cores=NC, num_subcores=NS,
    ),
    scratch_types=[
        pltpu.VMEM((B_PER_W, IDXROW), jnp.int32),
        pltpu.VMEM((N_PROMPT, D), jnp.float32),
        [pltpu.VMEM((IDXROW, D), jnp.float32)] * 2,
        [pltpu.SemaphoreType.DMA] * 2,
        [pltpu.SemaphoreType.DMA] * 2,
    ],
    compiler_params=pltpu.CompilerParams(use_tc_tiling_on_sc=False),
)


@jax.jit
def kernel(tokens, embed_table, prompt_na, prompt1, prompt2, prompt3,
           prompt4, prompt5, prompt_sep):
    idx = jnp.pad(tokens[:, :TOK], ((0, 0), (0, IDXROW - TOK)))
    out = _sc_call(idx, embed_table, prompt_na, prompt1, prompt2, prompt3,
                   prompt4, prompt5, prompt_sep)
    return out.reshape(BSZ, SEQ, D)

# --- scband reference (transcript-rebuilt; emitter-appended) ---
"""Pipeline reference for scband-soft-prompt-35596688949753 (READ-ONLY COPY).

The authoritative reference and input builder live on the scoring server;
editing this copy changes nothing except your own understanding.
"""

import jax, jax.numpy as jnp
import numpy as np

N_PROMPT = 170


def setup_inputs(seed: int = 0) -> dict:
    key = jax.random.key(seed)
    ks = jax.random.split(key, 10)
    tokens = jax.random.randint(ks[0], (1024, 512), 0, 100000, dtype=jnp.int32)
    embed_table = jax.random.normal(ks[1], (100000, 128), dtype=jnp.float32) * 0.02
    prompt_na = jax.random.uniform(ks[2], (1, 128), dtype=jnp.float32, minval=-0.1, maxval=0.1)
    prompt1 = jax.random.uniform(ks[3], (34, 128), dtype=jnp.float32, minval=-0.1, maxval=0.1)
    prompt2 = jax.random.uniform(ks[4], (34, 128), dtype=jnp.float32, minval=-0.1, maxval=0.1)
    prompt3 = jax.random.uniform(ks[5], (34, 128), dtype=jnp.float32, minval=-0.1, maxval=0.1)
    prompt4 = jax.random.uniform(ks[6], (33, 128), dtype=jnp.float32, minval=-0.1, maxval=0.1)
    prompt5 = jax.random.uniform(ks[7], (33, 128), dtype=jnp.float32, minval=-0.1, maxval=0.1)
    prompt_sep = jax.random.uniform(ks[8], (1, 128), dtype=jnp.float32, minval=-0.1, maxval=0.1)
    return {
        "tokens": tokens,
        "embed_table": embed_table,
        "prompt_na": prompt_na,
        "prompt1": prompt1,
        "prompt2": prompt2,
        "prompt3": prompt3,
        "prompt4": prompt4,
        "prompt5": prompt5,
        "prompt_sep": prompt_sep,
    }


def reference(tokens, embed_table, prompt_na, prompt1, prompt2, prompt3, prompt4, prompt5, prompt_sep):
    # prompt_embed = cat of the seven prompt parameter blocks -> [n_prompt, d]
    prompt_embed = jnp.concatenate(
        [prompt_na, prompt1, prompt2, prompt3, prompt4, prompt5, prompt_sep], axis=0
    )
    # input_embedding = plm_embed(tokens[:, :-n_prompt]) : embedding gather
    input_embedding = jnp.take(embed_table, tokens[:, :-N_PROMPT], axis=0)
    bsz = input_embedding.shape[0]
    # prompt_embed.repeat(bsz, 1, 1)
    prompt_tiled = jnp.broadcast_to(
        prompt_embed[None, :, :], (bsz, prompt_embed.shape[0], prompt_embed.shape[1])
    )
    # cat([input_embedding, prompt_embed], dim=1)
    return jnp.concatenate([input_embedding, prompt_tiled], axis=1)

if __name__ == "__main__":
    import jax
    _d = setup_inputs()
    print(jax.jit(kernel)(*tuple(_d.values())))

</pallas_src>

<mosaic_0001>
#map = affine_map<(d0, d1) -> (0, 0)>
module attributes {stable_mosaic.version = 14 : i64} {
  func.func @_body(%arg0: i32, %arg1: i32, %arg2: memref<1024x344xi32, #tpu.memory_space<hbm>>, %arg3: memref<100000x128xf32, #tpu.memory_space<hbm>>, %arg4: memref<1x128xf32, #tpu.memory_space<hbm>>, %arg5: memref<34x128xf32, #tpu.memory_space<hbm>>, %arg6: memref<34x128xf32, #tpu.memory_space<hbm>>, %arg7: memref<34x128xf32, #tpu.memory_space<hbm>>, %arg8: memref<33x128xf32, #tpu.memory_space<hbm>>, %arg9: memref<33x128xf32, #tpu.memory_space<hbm>>, %arg10: memref<1x128xf32, #tpu.memory_space<hbm>>, %arg11: memref<524288x128xf32, #tpu.memory_space<hbm>>, %arg12: memref<32x344xi32, #tpu.memory_space<vmem>>, %arg13: memref<170x128xf32, #tpu.memory_space<vmem>>, %arg14: memref<344x128xf32, #tpu.memory_space<vmem>>, %arg15: memref<344x128xf32, #tpu.memory_space<vmem>>, %arg16: memref<!tpu.dma_semaphore, #tpu.memory_space<semaphore_mem>>, %arg17: memref<!tpu.dma_semaphore, #tpu.memory_space<semaphore_mem>>, %arg18: memref<!tpu.dma_semaphore, #tpu.memory_space<semaphore_mem>>, %arg19: memref<!tpu.dma_semaphore, #tpu.memory_space<semaphore_mem>>) attributes {dimension_semantics = [#tpu.dimension_semantics<core_parallel>, #tpu.dimension_semantics<subcore_parallel>], iteration_bounds = array<i64: 2, 16>, scalar_prefetch = 0 : i64, scratch_operands = 8 : i64, tpu.core_type = #tpu.core_type<sc_vector_subcore>, window_params = [{transform_indices = #map}, {transform_indices = #map}, {transform_indices = #map}, {transform_indices = #map}, {transform_indices = #map}, {transform_indices = #map}, {transform_indices = #map}, {transform_indices = #map}, {transform_indices = #map}, {transform_indices = #map}]} {
    %mul3A = arith.constant 2 : i32
    %mul3A_0 = arith.muli %arg1, %mul3A : i32
    %add3A = arith.addi %mul3A_0, %arg0 : i32
    %mul3A_1 = arith.constant 32 : i32
    %mul3A_2 = arith.muli %add3A, %mul3A_1 : i32
    "tpu.region"() ({
      %run_scoped3A = tpu.sem_alloc : memref<!tpu.dma_semaphore, #tpu.memory_space<semaphore_mem>>
      %dma_start3A_123 = arith.constant 0 : i32
      %dma_start3A_124 = arith.constant 0 : i32
      %dma_start3A_125 = tpu.memref_slice %arg13[%dma_start3A_123, %dma_start3A_124] : memref<170x128xf32, #tpu.memory_space<vmem>> -> memref<1x128xf32, #tpu.memory_space<vmem>>
      %dma_start3A_126 = arith.constant 0 : i32
      %dma_start3A_127 = arith.constant 0 : i32
      %dma_start3A_128 = tpu.memref_slice %arg13[%dma_start3A_126, %dma_start3A_127] : memref<170x128xf32, #tpu.memory_space<vmem>> -> memref<1x128xf32, #tpu.memory_space<vmem>>
      tpu.enqueue_dma source(%arg4 : memref<1x128xf32, #tpu.memory_space<hbm>>) target(%dma_start3A_128 : memref<1x128xf32, #tpu.memory_space<vmem>>) target_semaphore(%run_scoped3A : memref<!tpu.dma_semaphore, #tpu.memory_space<semaphore_mem>>)
      %dma_wait3A_129 = arith.constant 0 : i32
      %dma_wait3A_130 = arith.constant 0 : i32
      %dma_wait3A_131 = tpu.memref_slice %arg13[%dma_wait3A_129, %dma_wait3A_130] : memref<170x128xf32, #tpu.memory_space<vmem>> -> memref<1x128xf32, #tpu.memory_space<vmem>>
      %dma_wait3A_132 = arith.constant 0 : i32
      %dma_wait3A_133 = arith.constant 0 : i32
      %dma_wait3A_134 = tpu.memref_slice %arg13[%dma_wait3A_132, %dma_wait3A_133] : memref<170x128xf32, #tpu.memory_space<vmem>> -> memref<1x128xf32, #tpu.memory_space<vmem>>
      tpu.wait_dma2 semaphore(%run_scoped3A : memref<!tpu.dma_semaphore, #tpu.memory_space<semaphore_mem>>) src(%arg4 : memref<1x128xf32, #tpu.memory_space<hbm>>) dst(%dma_wait3A_134 : memref<1x128xf32, #tpu.memory_space<vmem>>)
      tpu.yield
    }) : () -> ()
    "tpu.region"() ({
      %run_scoped3A = tpu.sem_alloc : memref<!tpu.dma_semaphore, #tpu.memory_space<semaphore_mem>>
      %dma_start3A_123 = arith.constant 1 : i32
      %dma_start3A_124 = arith.constant 0 : i32
      %dma_start3A_125 = tpu.memref_slice %arg13[%dma_start3A_123, %dma_start3A_124] : memref<170x128xf32, #tpu.memory_space<vmem>> -> memref<34x128xf32, #tpu.memory_space<vmem>>
      %dma_start3A_126 = arith.constant 1 : i32
      %dma_start3A_127 = arith.constant 0 : i32
      %dma_start3A_128 = tpu.memref_slice %arg13[%dma_start3A_126, %dma_start3A_127] : memref<170x128xf32, #tpu.memory_space<vmem>> -> memref<34x128xf32, #tpu.memory_space<vmem>>
      tpu.enqueue_dma source(%arg5 : memref<34x128xf32, #tpu.memory_space<hbm>>) target(%dma_start3A_128 : memref<34x128xf32, #tpu.memory_space<vmem>>) target_semaphore(%run_scoped3A : memref<!tpu.dma_semaphore, #tpu.memory_space<semaphore_mem>>)
      %dma_wait3A_129 = arith.constant 1 : i32
      %dma_wait3A_130 = arith.constant 0 : i32
      %dma_wait3A_131 = tpu.memref_slice %arg13[%dma_wait3A_129, %dma_wait3A_130] : memref<170x128xf32, #tpu.memory_space<vmem>> -> memref<34x128xf32, #tpu.memory_space<vmem>>
      %dma_wait3A_132 = arith.constant 1 : i32
      %dma_wait3A_133 = arith.constant 0 : i32
      %dma_wait3A_134 = tpu.memref_slice %arg13[%dma_wait3A_132, %dma_wait3A_133] : memref<170x128xf32, #tpu.memory_space<vmem>> -> memref<34x128xf32, #tpu.memory_space<vmem>>
      tpu.wait_dma2 semaphore(%run_scoped3A : memref<!tpu.dma_semaphore, #tpu.memory_space<semaphore_mem>>) src(%arg5 : memref<34x128xf32, #tpu.memory_space<hbm>>) dst(%dma_wait3A_134 : memref<34x128xf32, #tpu.memory_space<vmem>>)
      tpu.yield
    }) : () -> ()
    "tpu.region"() ({
      %run_scoped3A = tpu.sem_alloc : memref<!tpu.dma_semaphore, #tpu.memory_space<semaphore_mem>>
      %dma_start3A_123 = arith.constant 35 : i32
      %dma_start3A_124 = arith.constant 0 : i32
      %dma_start3A_125 = tpu.memref_slice %arg13[%dma_start3A_123, %dma_start3A_124] : memref<170x128xf32, #tpu.memory_space<vmem>> -> memref<34x128xf32, #tpu.memory_space<vmem>>
      %dma_start3A_126 = arith.constant 35 : i32
      %dma_start3A_127 = arith.constant 0 : i32
      %dma_start3A_128 = tpu.memref_slice %arg13[%dma_start3A_126, %dma_start3A_127] : memref<170x128xf32, #tpu.memory_space<vmem>> -> memref<34x128xf32, #tpu.memory_space<vmem>>
      tpu.enqueue_dma source(%arg6 : memref<34x128xf32, #tpu.memory_space<hbm>>) target(%dma_start3A_128 : memref<34x128xf32, #tpu.memory_space<vmem>>) target_semaphore(%run_scoped3A : memref<!tpu.dma_semaphore, #tpu.memory_space<semaphore_mem>>)
      %dma_wait3A_129 = arith.constant 35 : i32
      %dma_wait3A_130 = arith.constant 0 : i32
      %dma_wait3A_131 = tpu.memref_slice %arg13[%dma_wait3A_129, %dma_wait3A_130] : memref<170x128xf32, #tpu.memory_space<vmem>> -> memref<34x128xf32, #tpu.memory_space<vmem>>
      %dma_wait3A_132 = arith.constant 35 : i32
      %dma_wait3A_133 = arith.constant 0 : i32
      %dma_wait3A_134 = tpu.memref_slice %arg13[%dma_wait3A_132, %dma_wait3A_133] : memref<170x128xf32, #tpu.memory_space<vmem>> -> memref<34x128xf32, #tpu.memory_space<vmem>>
      tpu.wait_dma2 semaphore(%run_scoped3A : memref<!tpu.dma_semaphore, #tpu.memory_space<semaphore_mem>>) src(%arg6 : memref<34x128xf32, #tpu.memory_space<hbm>>) dst(%dma_wait3A_134 : memref<34x128xf32, #tpu.memory_space<vmem>>)
      tpu.yield
    }) : () -> ()
    "tpu.region"() ({
      %run_scoped3A = tpu.sem_alloc : memref<!tpu.dma_semaphore, #tpu.memory_space<semaphore_mem>>
      %dma_start3A_123 = arith.constant 69 : i32
      %dma_start3A_124 = arith.constant 0 : i32
      %dma_start3A_125 = tpu.memref_slice %arg13[%dma_start3A_123, %dma_start3A_124] : memref<170x128xf32, #tpu.memory_space<vmem>> -> memref<34x128xf32, #tpu.memory_space<vmem>>
      %dma_start3A_126 = arith.constant 69 : i32
      %dma_start3A_127 = arith.constant 0 : i32
      %dma_start3A_128 = tpu.memref_slice %arg13[%dma_start3A_126, %dma_start3A_127] : memref<170x128xf32, #tpu.memory_space<vmem>> -> memref<34x128xf32, #tpu.memory_space<vmem>>
      tpu.enqueue_dma source(%arg7 : memref<34x128xf32, #tpu.memory_space<hbm>>) target(%dma_start3A_128 : memref<34x128xf32, #tpu.memory_space<vmem>>) target_semaphore(%run_scoped3A : memref<!tpu.dma_semaphore, #tpu.memory_space<semaphore_mem>>)
      %dma_wait3A_129 = arith.constant 69 : i32
      %dma_wait3A_130 = arith.constant 0 : i32
      %dma_wait3A_131 = tpu.memref_slice %arg13[%dma_wait3A_129, %dma_wait3A_130] : memref<170x128xf32, #tpu.memory_space<vmem>> -> memref<34x128xf32, #tpu.memory_space<vmem>>
      %dma_wait3A_132 = arith.constant 69 : i32
      %dma_wait3A_133 = arith.constant 0 : i32
      %dma_wait3A_134 = tpu.memref_slice %arg13[%dma_wait3A_132, %dma_wait3A_133] : memref<170x128xf32, #tpu.memory_space<vmem>> -> memref<34x128xf32, #tpu.memory_space<vmem>>
      tpu.wait_dma2 semaphore(%run_scoped3A : memref<!tpu.dma_semaphore, #tpu.memory_space<semaphore_mem>>) src(%arg7 : memref<34x128xf32, #tpu.memory_space<hbm>>) dst(%dma_wait3A_134 : memref<34x128xf32, #tpu.memory_space<vmem>>)
      tpu.yield
    }) : () -> ()
    "tpu.region"() ({
      %run_scoped3A = tpu.sem_alloc : memref<!tpu.dma_semaphore, #tpu.memory_space<semaphore_mem>>
      %dma_start3A_123 = arith.constant 103 : i32
      %dma_start3A_124 = arith.constant 0 : i32
      %dma_start3A_125 = tpu.memref_slice %arg13[%dma_start3A_123, %dma_start3A_124] : memref<170x128xf32, #tpu.memory_space<vmem>> -> memref<33x128xf32, #tpu.memory_space<vmem>>
      %dma_start3A_126 = arith.constant 103 : i32
      %dma_start3A_127 = arith.constant 0 : i32
      %dma_start3A_128 = tpu.memref_slice %arg13[%dma_start3A_126, %dma_start3A_127] : memref<170x128xf32, #tpu.memory_space<vmem>> -> memref<33x128xf32, #tpu.memory_space<vmem>>
      tpu.enqueue_dma source(%arg8 : memref<33x128xf32, #tpu.memory_space<hbm>>) target(%dma_start3A_128 : memref<33x128xf32, #tpu.memory_space<vmem>>) target_semaphore(%run_scoped3A : memref<!tpu.dma_semaphore, #tpu.memory_space<semaphore_mem>>)
      %dma_wait3A_129 = arith.constant 103 : i32
      %dma_wait3A_130 = arith.constant 0 : i32
      %dma_wait3A_131 = tpu.memref_slice %arg13[%dma_wait3A_129, %dma_wait3A_130] : memref<170x128xf32, #tpu.memory_space<vmem>> -> memref<33x128xf32, #tpu.memory_space<vmem>>
      %dma_wait3A_132 = arith.constant 103 : i32
      %dma_wait3A_133 = arith.constant 0 : i32
      %dma_wait3A_134 = tpu.memref_slice %arg13[%dma_wait3A_132, %dma_wait3A_133] : memref<170x128xf32, #tpu.memory_space<vmem>> -> memref<33x128xf32, #tpu.memory_space<vmem>>
      tpu.wait_dma2 semaphore(%run_scoped3A : memref<!tpu.dma_semaphore, #tpu.memory_space<semaphore_mem>>) src(%arg8 : memref<33x128xf32, #tpu.memory_space<hbm>>) dst(%dma_wait3A_134 : memref<33x128xf32, #tpu.memory_space<vmem>>)
      tpu.yield
    }) : () -> ()
    "tpu.region"() ({
      %run_scoped3A = tpu.sem_alloc : memref<!tpu.dma_semaphore, #tpu.memory_space<semaphore_mem>>
      %dma_start3A_123 = arith.constant 136 : i32
      %dma_start3A_124 = arith.constant 0 : i32
      %dma_start3A_125 = tpu.memref_slice %arg13[%dma_start3A_123, %dma_start3A_124] : memref<170x128xf32, #tpu.memory_space<vmem>> -> memref<33x128xf32, #tpu.memory_space<vmem>>
      %dma_start3A_126 = arith.constant 136 : i32
      %dma_start3A_127 = arith.constant 0 : i32
      %dma_start3A_128 = tpu.memref_slice %arg13[%dma_start3A_126, %dma_start3A_127] : memref<170x128xf32, #tpu.memory_space<vmem>> -> memref<33x128xf32, #tpu.memory_space<vmem>>
      tpu.enqueue_dma source(%arg9 : memref<33x128xf32, #tpu.memory_space<hbm>>) target(%dma_start3A_128 : memref<33x128xf32, #tpu.memory_space<vmem>>) target_semaphore(%run_scoped3A : memref<!tpu.dma_semaphore, #tpu.memory_space<semaphore_mem>>)
      %dma_wait3A_129 = arith.constant 136 : i32
      %dma_wait3A_130 = arith.constant 0 : i32
      %dma_wait3A_131 = tpu.memref_slice %arg13[%dma_wait3A_129, %dma_wait3A_130] : memref<170x128xf32, #tpu.memory_space<vmem>> -> memref<33x128xf32, #tpu.memory_space<vmem>>
      %dma_wait3A_132 = arith.constant 136 : i32
      %dma_wait3A_133 = arith.constant 0 : i32
      %dma_wait3A_134 = tpu.memref_slice %arg13[%dma_wait3A_132, %dma_wait3A_133] : memref<170x128xf32, #tpu.memory_space<vmem>> -> memref<33x128xf32, #tpu.memory_space<vmem>>
      tpu.wait_dma2 semaphore(%run_scoped3A : memref<!tpu.dma_semaphore, #tpu.memory_space<semaphore_mem>>) src(%arg9 : memref<33x128xf32, #tpu.memory_space<hbm>>) dst(%dma_wait3A_134 : memref<33x128xf32, #tpu.memory_space<vmem>>)
      tpu.yield
    }) : () -> ()
    "tpu.region"() ({
      %run_scoped3A = tpu.sem_alloc : memref<!tpu.dma_semaphore, #tpu.memory_space<semaphore_mem>>
      %dma_start3A_123 = arith.constant 169 : i32
      %dma_start3A_124 = arith.constant 0 : i32
      %dma_start3A_125 = tpu.memref_slice %arg13[%dma_start3A_123, %dma_start3A_124] : memref<170x128xf32, #tpu.memory_space<vmem>> -> memref<1x128xf32, #tpu.memory_space<vmem>>
      %dma_start3A_126 = arith.constant 169 : i32
      %dma_start3A_127 = arith.constant 0 : i32
      %dma_start3A_128 = tpu.memref_slice %arg13[%dma_start3A_126, %dma_start3A_127] : memref<170x128xf32, #tpu.memory_space<vmem>> -> memref<1x128xf32, #tpu.memory_space<vmem>>
      tpu.enqueue_dma source(%arg10 : memref<1x128xf32, #tpu.memory_space<hbm>>) target(%dma_start3A_128 : memref<1x128xf32, #tpu.memory_space<vmem>>) target_semaphore(%run_scoped3A : memref<!tpu.dma_semaphore, #tpu.memory_space<semaphore_mem>>)
      %dma_wait3A_129 = arith.constant 169 : i32
      %dma_wait3A_130 = arith.constant 0 : i32
      %dma_wait3A_131 = tpu.memref_slice %arg13[%dma_wait3A_129, %dma_wait3A_130] : memref<170x128xf32, #tpu.memory_space<vmem>> -> memref<1x128xf32, #tpu.memory_space<vmem>>
      %dma_wait3A_132 = arith.constant 169 : i32
      %dma_wait3A_133 = arith.constant 0 : i32
      %dma_wait3A_134 = tpu.memref_slice %arg13[%dma_wait3A_132, %dma_wait3A_133] : memref<170x128xf32, #tpu.memory_space<vmem>> -> memref<1x128xf32, #tpu.memory_space<vmem>>
      tpu.wait_dma2 semaphore(%run_scoped3A : memref<!tpu.dma_semaphore, #tpu.memory_space<semaphore_mem>>) src(%arg10 : memref<1x128xf32, #tpu.memory_space<hbm>>) dst(%dma_wait3A_134 : memref<1x128xf32, #tpu.memory_space<vmem>>)
      tpu.yield
    }) : () -> ()
    "tpu.region"() ({
      %run_scoped3A = tpu.sem_alloc : memref<!tpu.dma_semaphore, #tpu.memory_space<semaphore_mem>>
      %dma_start3A_123 = arith.constant 0 : i32
      %dma_start3A_124 = tpu.memref_slice %arg2[%mul3A_2, %dma_start3A_123] : memref<1024x344xi32, #tpu.memory_space<hbm>> -> memref<32x344xi32, #tpu.memory_space<hbm>>
      %dma_start3A_125 = arith.constant 0 : i32
      %dma_start3A_126 = tpu.memref_slice %arg2[%mul3A_2, %dma_start3A_125] : memref<1024x344xi32, #tpu.memory_space<hbm>> -> memref<32x344xi32, #tpu.memory_space<hbm>>
      tpu.enqueue_dma source(%dma_start3A_126 : memref<32x344xi32, #tpu.memory_space<hbm>>) target(%arg12 : memref<32x344xi32, #tpu.memory_space<vmem>>) target_semaphore(%run_scoped3A : memref<!tpu.dma_semaphore, #tpu.memory_space<semaphore_mem>>)
      %dma_wait3A_127 = arith.constant 0 : i32
      %dma_wait3A_128 = tpu.memref_slice %arg2[%mul3A_2, %dma_wait3A_127] : memref<1024x344xi32, #tpu.memory_space<hbm>> -> memref<32x344xi32, #tpu.memory_space<hbm>>
      %dma_wait3A_129 = arith.constant 0 : i32
      %dma_wait3A_130 = tpu.memref_slice %arg2[%mul3A_2, %dma_wait3A_129] : memref<1024x344xi32, #tpu.memory_space<hbm>> -> memref<32x344xi32, #tpu.memory_space<hbm>>
      tpu.wait_dma2 semaphore(%run_scoped3A : memref<!tpu.dma_semaphore, #tpu.memory_space<semaphore_mem>>) src(%dma_wait3A_130 : memref<32x344xi32, #tpu.memory_space<hbm>>) dst(%arg12 : memref<32x344xi32, #tpu.memory_space<vmem>>)
      tpu.yield
    }) : () -> ()
    %dma_start3A = arith.constant 0 : i32
    %dma_start3A_3 = arith.constant 0 : i32
    %dma_start3A_4 = tpu.memref_slice %arg12[%dma_start3A, %dma_start3A_3] : memref<32x344xi32, #tpu.memory_space<vmem>> -> memref<1x344xi32, #tpu.memory_space<vmem>>
    %dma_start3A_5 = tpu.memref_squeeze %dma_start3A_4 : memref<1x344xi32, #tpu.memory_space<vmem>> -> memref<344xi32, #tpu.memory_space<vmem>>
    %dma_start3A_6 = arith.constant 0 : i32
    %dma_start3A_7 = arith.constant 0 : i32
    %dma_start3A_8 = tpu.memref_slice %arg3[%dma_start3A_6, %dma_start3A_7] : memref<100000x128xf32, #tpu.memory_space<hbm>> -> memref<100000x128xf32, #tpu.memory_space<hbm>>
    tpu.enqueue_indirect_dma source(%dma_start3A_8 : memref<100000x128xf32, #tpu.memory_space<hbm>>) target(%arg14 : memref<344x128xf32, #tpu.memory_space<vmem>>) offsets(%dma_start3A_5 : memref<344xi32, #tpu.memory_space<vmem>>) semaphore(%arg16 : memref<!tpu.dma_semaphore, #tpu.memory_space<semaphore_mem>>)
    %dma_start3A_9 = arith.constant 1 : i32
    %dma_start3A_10 = arith.constant 0 : i32
    %dma_start3A_11 = tpu.memref_slice %arg12[%dma_start3A_9, %dma_start3A_10] : memref<32x344xi32, #tpu.memory_space<vmem>> -> memref<1x344xi32, #tpu.memory_space<vmem>>
    %dma_start3A_12 = tpu.memref_squeeze %dma_start3A_11 : memref<1x344xi32, #tpu.memory_space<vmem>> -> memref<344xi32, #tpu.memory_space<vmem>>
    %dma_start3A_13 = arith.constant 0 : i32
    %dma_start3A_14 = arith.constant 0 : i32
    %dma_start3A_15 = tpu.memref_slice %arg3[%dma_start3A_13, %dma_start3A_14] : memref<100000x128xf32, #tpu.memory_space<hbm>> -> memref<100000x128xf32, #tpu.memory_space<hbm>>
    tpu.enqueue_indirect_dma source(%dma_start3A_15 : memref<100000x128xf32, #tpu.memory_space<hbm>>) target(%arg15 : memref<344x128xf32, #tpu.memory_space<vmem>>) offsets(%dma_start3A_12 : memref<344xi32, #tpu.memory_space<vmem>>) semaphore(%arg17 : memref<!tpu.dma_semaphore, #tpu.memory_space<semaphore_mem>>)
    %scan3A = arith.constant 0 : i32
    %scan3A_16 = arith.constant 0 : i32
    %scan3A_17 = arith.constant 15 : i32
    %scan3A_18 = arith.addi %scan3A_16, %scan3A_17 : i32
    %scan3A_19 = arith.constant 1 : i32
    %scan3A_20 = scf.for %scan3A_123 = %scan3A_16 to %scan3A_18 step %scan3A_19 iter_args(%scan3A_124 = %scan3A) -> (i32)  : i32 {
      %mul3A_125 = arith.constant 2 : i32
      %mul3A_126 = arith.muli %mul3A_125, %scan3A_123 : i32
      %add3A_127 = arith.constant 0 : i32
      %add3A_128 = arith.addi %mul3A_126, %add3A_127 : i32
      %dma_wait3A_129 = arith.constant 0 : i32
      %dma_wait3A_130 = tpu.memref_slice %arg12[%add3A_128, %dma_wait3A_129] : memref<32x344xi32, #tpu.memory_space<vmem>> -> memref<1x344xi32, #tpu.memory_space<vmem>>
      %dma_wait3A_131 = tpu.memref_squeeze %dma_wait3A_130 : memref<1x344xi32, #tpu.memory_space<vmem>> -> memref<344xi32, #tpu.memory_space<vmem>>
      %dma_wait3A_132 = arith.constant 0 : i32
      %dma_wait3A_133 = arith.constant 0 : i32
      %dma_wait3A_134 = tpu.memref_slice %arg3[%dma_wait3A_132, %dma_wait3A_133] : memref<100000x128xf32, #tpu.memory_space<hbm>> -> memref<100000x128xf32, #tpu.memory_space<hbm>>
      tpu.wait_indirect_dma semaphore(%arg16 : memref<!tpu.dma_semaphore, #tpu.memory_space<semaphore_mem>>) src(%dma_wait3A_134 : memref<100000x128xf32, #tpu.memory_space<hbm>>) dst(%arg14 : memref<344x128xf32, #tpu.memory_space<vmem>>)
      %add3A_135 = arith.addi %mul3A_2, %add3A_128 : i32
      %mul3A_136 = arith.constant 512 : i32
      %mul3A_137 = arith.muli %add3A_135, %mul3A_136 : i32
      %dma_start3A_138 = arith.constant 0 : i32
      %dma_start3A_139 = arith.constant 0 : i32
      %dma_start3A_140 = tpu.memref_slice %arg14[%dma_start3A_138, %dma_start3A_139] : memref<344x128xf32, #tpu.memory_space<vmem>> -> memref<342x128xf32, #tpu.memory_space<vmem>>
      %dma_start3A_141 = arith.constant 0 : i32
      %dma_start3A_142 = tpu.memref_slice %arg11[%mul3A_137, %dma_start3A_141] : memref<524288x128xf32, #tpu.memory_space<hbm>> -> memref<342x128xf32, #tpu.memory_space<hbm>>
      %dma_start3A_143 = arith.constant 0 : i32
      %dma_start3A_144 = tpu.memref_slice %arg11[%mul3A_137, %dma_start3A_143] : memref<524288x128xf32, #tpu.memory_space<hbm>> -> memref<342x128xf32, #tpu.memory_space<hbm>>
      %dma_start3A_145 = arith.constant 0 : i32
      %dma_start3A_146 = arith.constant 0 : i32
      %dma_start3A_147 = tpu.memref_slice %arg14[%dma_start3A_145, %dma_start3A_146] : memref<344x128xf32, #tpu.memory_space<vmem>> -> memref<342x128xf32, #tpu.memory_space<vmem>>
      tpu.enqueue_dma source(%dma_start3A_147 : memref<342x128xf32, #tpu.memory_space<vmem>>) target(%dma_start3A_144 : memref<342x128xf32, #tpu.memory_space<hbm>>) target_semaphore(%arg18 : memref<!tpu.dma_semaphore, #tpu.memory_space<semaphore_mem>>)
      %mul3A_148 = arith.constant 512 : i32
      %mul3A_149 = arith.muli %add3A_135, %mul3A_148 : i32
      %add3A_150 = arith.constant 342 : i32
      %add3A_151 = arith.addi %mul3A_149, %add3A_150 : i32
      %dma_start3A_152 = arith.constant 0 : i32
      %dma_start3A_153 = tpu.memref_slice %arg11[%add3A_151, %dma_start3A_152] : memref<524288x128xf32, #tpu.memory_space<hbm>> -> memref<170x128xf32, #tpu.memory_space<hbm>>
      %dma_start3A_154 = arith.constant 0 : i32
      %dma_start3A_155 = tpu.memref_slice %arg11[%add3A_151, %dma_start3A_154] : memref<524288x128xf32, #tpu.memory_space<hbm>> -> memref<170x128xf32, #tpu.memory_space<hbm>>
      tpu.enqueue_dma source(%arg13 : memref<170x128xf32, #tpu.memory_space<vmem>>) target(%dma_start3A_155 : memref<170x128xf32, #tpu.memory_space<hbm>>) target_semaphore(%arg18 : memref<!tpu.dma_semaphore, #tpu.memory_space<semaphore_mem>>)
      %add3A_156 = arith.addi %mul3A_2, %add3A_128 : i32
      %mul3A_157 = arith.constant 512 : i32
      %mul3A_158 = arith.muli %add3A_156, %mul3A_157 : i32
      %dma_wait3A_159 = arith.constant 0 : i32
      %dma_wait3A_160 = arith.constant 0 : i32
      %dma_wait3A_161 = tpu.memref_slice %arg14[%dma_wait3A_159, %dma_wait3A_160] : memref<344x128xf32, #tpu.memory_space<vmem>> -> memref<342x128xf32, #tpu.memory_space<vmem>>
      %dma_wait3A_162 = arith.constant 0 : i32
      %dma_wait3A_163 = tpu.memref_slice %arg11[%mul3A_158, %dma_wait3A_162] : memref<524288x128xf32, #tpu.memory_space<hbm>> -> memref<342x128xf32, #tpu.memory_space<hbm>>
      %dma_wait3A_164 = arith.constant 0 : i32
      %dma_wait3A_165 = tpu.memref_slice %arg11[%mul3A_158, %dma_wait3A_164] : memref<524288x128xf32, #tpu.memory_space<hbm>> -> memref<342x128xf32, #tpu.memory_space<hbm>>
      %dma_wait3A_166 = arith.constant 0 : i32
      %dma_wait3A_167 = arith.constant 0 : i32
      %dma_wait3A_168 = tpu.memref_slice %arg14[%dma_wait3A_166, %dma_wait3A_167] : memref<344x128xf32, #tpu.memory_space<vmem>> -> memref<342x128xf32, #tpu.memory_space<vmem>>
      tpu.wait_dma2 semaphore(%arg18 : memref<!tpu.dma_semaphore, #tpu.memory_space<semaphore_mem>>) src(%dma_wait3A_168 : memref<342x128xf32, #tpu.memory_space<vmem>>) dst(%dma_wait3A_165 : memref<342x128xf32, #tpu.memory_space<hbm>>)
      %mul3A_169 = arith.constant 512 : i32
      %mul3A_170 = arith.muli %add3A_156, %mul3A_169 : i32
      %add3A_171 = arith.constant 342 : i32
      %add3A_172 = arith.addi %mul3A_170, %add3A_171 : i32
      %dma_wait3A_173 = arith.constant 0 : i32
      %dma_wait3A_174 = tpu.memref_slice %arg11[%add3A_172, %dma_wait3A_173] : memref<524288x128xf32, #tpu.memory_space<hbm>> -> memref<170x128xf32, #tpu.memory_space<hbm>>
      %dma_wait3A_175 = arith.constant 0 : i32
      %dma_wait3A_176 = tpu.memref_slice %arg11[%add3A_172, %dma_wait3A_175] : memref<524288x128xf32, #tpu.memory_space<hbm>> -> memref<170x128xf32, #tpu.memory_space<hbm>>
      tpu.wait_dma2 semaphore(%arg18 : memref<!tpu.dma_semaphore, #tpu.memory_space<semaphore_mem>>) src(%arg13 : memref<170x128xf32, #tpu.memory_space<vmem>>) dst(%dma_wait3A_176 : memref<170x128xf32, #tpu.memory_space<hbm>>)
      %add3A_177 = arith.constant 2 : i32
      %add3A_178 = arith.addi %add3A_128, %add3A_177 : i32
      %dma_start3A_179 = arith.constant 0 : i32
      %dma_start3A_180 = tpu.memref_slice %arg12[%add3A_178, %dma_start3A_179] : memref<32x344xi32, #tpu.memory_space<vmem>> -> memref<1x344xi32, #tpu.memory_space<vmem>>
      %dma_start3A_181 = tpu.memref_squeeze %dma_start3A_180 : memref<1x344xi32, #tpu.memory_space<vmem>> -> memref<344xi32, #tpu.memory_space<vmem>>
      %dma_start3A_182 = arith.constant 0 : i32
      %dma_start3A_183 = arith.constant 0 : i32
      %dma_start3A_184 = tpu.memref_slice %arg3[%dma_start3A_182, %dma_start3A_183] : memref<100000x128xf32, #tpu.memory_space<hbm>> -> memref<100000x128xf32, #tpu.memory_space<hbm>>
      tpu.enqueue_indirect_dma source(%dma_start3A_184 : memref<100000x128xf32, #tpu.memory_space<hbm>>) target(%arg14 : memref<344x128xf32, #tpu.memory_space<vmem>>) offsets(%dma_start3A_181 : memref<344xi32, #tpu.memory_space<vmem>>) semaphore(%arg16 : memref<!tpu.dma_semaphore, #tpu.memory_space<semaphore_mem>>)
      %mul3A_185 = arith.constant 2 : i32
      %mul3A_186 = arith.muli %mul3A_185, %scan3A_123 : i32
      %add3A_187 = arith.constant 1 : i32
      %add3A_188 = arith.addi %mul3A_186, %add3A_187 : i32
      %dma_wait3A_189 = arith.constant 0 : i32
      %dma_wait3A_190 = tpu.memref_slice %arg12[%add3A_188, %dma_wait3A_189] : memref<32x344xi32, #tpu.memory_space<vmem>> -> memref<1x344xi32, #tpu.memory_space<vmem>>
      %dma_wait3A_191 = tpu.memref_squeeze %dma_wait3A_190 : memref<1x344xi32, #tpu.memory_space<vmem>> -> memref<344xi32, #tpu.memory_space<vmem>>
      %dma_wait3A_192 = arith.constant 0 : i32
      %dma_wait3A_193 = arith.constant 0 : i32
      %dma_wait3A_194 = tpu.memref_slice %arg3[%dma_wait3A_192, %dma_wait3A_193] : memref<100000x128xf32, #tpu.memory_space<hbm>> -> memref<100000x128xf32, #tpu.memory_space<hbm>>
      tpu.wait_indirect_dma semaphore(%arg17 : memref<!tpu.dma_semaphore, #tpu.memory_space<semaphore_mem>>) src(%dma_wait3A_194 : memref<100000x128xf32, #tpu.memory_space<hbm>>) dst(%arg15 : memref<344x128xf32, #tpu.memory_space<vmem>>)
      %add3A_195 = arith.addi %mul3A_2, %add3A_188 : i32
      %mul3A_196 = arith.constant 512 : i32
      %mul3A_197 = arith.muli %add3A_195, %mul3A_196 : i32
      %dma_start3A_198 = arith.constant 0 : i32
      %dma_start3A_199 = arith.constant 0 : i32
      %dma_start3A_200 = tpu.memref_slice %arg15[%dma_start3A_198, %dma_start3A_199] : memref<344x128xf32, #tpu.memory_space<vmem>> -> memref<342x128xf32, #tpu.memory_space<vmem>>
      %dma_start3A_201 = arith.constant 0 : i32
      %dma_start3A_202 = tpu.memref_slice %arg11[%mul3A_197, %dma_start3A_201] : memref<524288x128xf32, #tpu.memory_space<hbm>> -> memref<342x128xf32, #tpu.memory_space<hbm>>
      %dma_start3A_203 = arith.constant 0 : i32
      %dma_start3A_204 = tpu.memref_slice %arg11[%mul3A_197, %dma_start3A_203] : memref<524288x128xf32, #tpu.memory_space<hbm>> -> memref<342x128xf32, #tpu.memory_space<hbm>>
      %dma_start3A_205 = arith.constant 0 : i32
      %dma_start3A_206 = arith.constant 0 : i32
      %dma_start3A_207 = tpu.memref_slice %arg15[%dma_start3A_205, %dma_start3A_206] : memref<344x128xf32, #tpu.memory_space<vmem>> -> memref<342x128xf32, #tpu.memory_space<vmem>>
      tpu.enqueue_dma source(%dma_start3A_207 : memref<342x128xf32, #tpu.memory_space<vmem>>) target(%dma_start3A_204 : memref<342x128xf32, #tpu.memory_space<hbm>>) target_semaphore(%arg19 : memref<!tpu.dma_semaphore, #tpu.memory_space<semaphore_mem>>)
      %mul3A_208 = arith.constant 512 : i32
      %mul3A_209 = arith.muli %add3A_195, %mul3A_208 : i32
      %add3A_210 = arith.constant 342 : i32
      %add3A_211 = arith.addi %mul3A_209, %add3A_210 : i32
      %dma_start3A_212 = arith.constant 0 : i32
      %dma_start3A_213 = tpu.memref_slice %arg11[%add3A_211, %dma_start3A_212] : memref<524288x128xf32, #tpu.memory_space<hbm>> -> memref<170x128xf32, #tpu.memory_space<hbm>>
      %dma_start3A_214 = arith.constant 0 : i32
      %dma_start3A_215 = tpu.memref_slice %arg11[%add3A_211, %dma_start3A_214] : memref<524288x128xf32, #tpu.memory_space<hbm>> -> memref<170x128xf32, #tpu.memory_space<hbm>>
      tpu.enqueue_dma source(%arg13 : memref<170x128xf32, #tpu.memory_space<vmem>>) target(%dma_start3A_215 : memref<170x128xf32, #tpu.memory_space<hbm>>) target_semaphore(%arg19 : memref<!tpu.dma_semaphore, #tpu.memory_space<semaphore_mem>>)
      %add3A_216 = arith.addi %mul3A_2, %add3A_188 : i32
      %mul3A_217 = arith.constant 512 : i32
      %mul3A_218 = arith.muli %add3A_216, %mul3A_217 : i32
      %dma_wait3A_219 = arith.constant 0 : i32
      %dma_wait3A_220 = arith.constant 0 : i32
      %dma_wait3A_221 = tpu.memref_slice %arg15[%dma_wait3A_219, %dma_wait3A_220] : memref<344x128xf32, #tpu.memory_space<vmem>> -> memref<342x128xf32, #tpu.memory_space<vmem>>
      %dma_wait3A_222 = arith.constant 0 : i32
      %dma_wait3A_223 = tpu.memref_slice %arg11[%mul3A_218, %dma_wait3A_222] : memref<524288x128xf32, #tpu.memory_space<hbm>> -> memref<342x128xf32, #tpu.memory_space<hbm>>
      %dma_wait3A_224 = arith.constant 0 : i32
      %dma_wait3A_225 = tpu.memref_slice %arg11[%mul3A_218, %dma_wait3A_224] : memref<524288x128xf32, #tpu.memory_space<hbm>> -> memref<342x128xf32, #tpu.memory_space<hbm>>
      %dma_wait3A_226 = arith.constant 0 : i32
      %dma_wait3A_227 = arith.constant 0 : i32
      %dma_wait3A_228 = tpu.memref_slice %arg15[%dma_wait3A_226, %dma_wait3A_227] : memref<344x128xf32, #tpu.memory_space<vmem>> -> memref<342x128xf32, #tpu.memory_space<vmem>>
      tpu.wait_dma2 semaphore(%arg19 : memref<!tpu.dma_semaphore, #tpu.memory_space<semaphore_mem>>) src(%dma_wait3A_228 : memref<342x128xf32, #tpu.memory_space<vmem>>) dst(%dma_wait3A_225 : memref<342x128xf32, #tpu.memory_space<hbm>>)
      %mul3A_229 = arith.constant 512 : i32
      %mul3A_230 = arith.muli %add3A_216, %mul3A_229 : i32
      %add3A_231 = arith.constant 342 : i32
      %add3A_232 = arith.addi %mul3A_230, %add3A_231 : i32
      %dma_wait3A_233 = arith.constant 0 : i32
      %dma_wait3A_234 = tpu.memref_slice %arg11[%add3A_232, %dma_wait3A_233] : memref<524288x128xf32, #tpu.memory_space<hbm>> -> memref<170x128xf32, #tpu.memory_space<hbm>>
      %dma_wait3A_235 = arith.constant 0 : i32
      %dma_wait3A_236 = tpu.memref_slice %arg11[%add3A_232, %dma_wait3A_235] : memref<524288x128xf32, #tpu.memory_space<hbm>> -> memref<170x128xf32, #tpu.memory_space<hbm>>
      tpu.wait_dma2 semaphore(%arg19 : memref<!tpu.dma_semaphore, #tpu.memory_space<semaphore_mem>>) src(%arg13 : memref<170x128xf32, #tpu.memory_space<vmem>>) dst(%dma_wait3A_236 : memref<170x128xf32, #tpu.memory_space<hbm>>)
      %add3A_237 = arith.constant 2 : i32
      %add3A_238 = arith.addi %add3A_188, %add3A_237 : i32
      %dma_start3A_239 = arith.constant 0 : i32
      %dma_start3A_240 = tpu.memref_slice %arg12[%add3A_238, %dma_start3A_239] : memref<32x344xi32, #tpu.memory_space<vmem>> -> memref<1x344xi32, #tpu.memory_space<vmem>>
      %dma_start3A_241 = tpu.memref_squeeze %dma_start3A_240 : memref<1x344xi32, #tpu.memory_space<vmem>> -> memref<344xi32, #tpu.memory_space<vmem>>
      %dma_start3A_242 = arith.constant 0 : i32
      %dma_start3A_243 = arith.constant 0 : i32
      %dma_start3A_244 = tpu.memref_slice %arg3[%dma_start3A_242, %dma_start3A_243] : memref<100000x128xf32, #tpu.memory_space<hbm>> -> memref<100000x128xf32, #tpu.memory_space<hbm>>
      tpu.enqueue_indirect_dma source(%dma_start3A_244 : memref<100000x128xf32, #tpu.memory_space<hbm>>) target(%arg15 : memref<344x128xf32, #tpu.memory_space<vmem>>) offsets(%dma_start3A_241 : memref<344xi32, #tpu.memory_space<vmem>>) semaphore(%arg17 : memref<!tpu.dma_semaphore, #tpu.memory_space<semaphore_mem>>)
      %scan3A_245 = arith.constant 0 : i32
      scf.yield %scan3A_245 : i32
    }
    %scan3A_21 = arith.constant 15 : i32
    %dma_wait3A = arith.constant 30 : i32
    %dma_wait3A_22 = arith.constant 0 : i32
    %dma_wait3A_23 = tpu.memref_slice %arg12[%dma_wait3A, %dma_wait3A_22] : memref<32x344xi32, #tpu.memory_space<vmem>> -> memref<1x344xi32, #tpu.memory_space<vmem>>
    %dma_wait3A_24 = tpu.memref_squeeze %dma_wait3A_23 : memref<1x344xi32, #tpu.memory_space<vmem>> -> memref<344xi32, #tpu.memory_space<vmem>>
    %dma_wait3A_25 = arith.constant 0 : i32
    %dma_wait3A_26 = arith.constant 0 : i32
    %dma_wait3A_27 = tpu.memref_slice %arg3[%dma_wait3A_25, %dma_wait3A_26] : memref<100000x128xf32, #tpu.memory_space<hbm>> -> memref<100000x128xf32, #tpu.memory_space<hbm>>
    tpu.wait_indirect_dma semaphore(%arg16 : memref<!tpu.dma_semaphore, #tpu.memory_space<semaphore_mem>>) src(%dma_wait3A_27 : memref<100000x128xf32, #tpu.memory_space<hbm>>) dst(%arg14 : memref<344x128xf32, #tpu.memory_space<vmem>>)
    %add3A_28 = arith.constant 30 : i32
    %add3A_29 = arith.addi %mul3A_2, %add3A_28 : i32
    %mul3A_30 = arith.constant 512 : i32
    %mul3A_31 = arith.muli %add3A_29, %mul3A_30 : i32
    %dma_start3A_32 = arith.constant 0 : i32
    %dma_start3A_33 = arith.constant 0 : i32
    %dma_start3A_34 = tpu.memref_slice %arg14[%dma_start3A_32, %dma_start3A_33] : memref<344x128xf32, #tpu.memory_space<vmem>> -> memref<342x128xf32, #tpu.memory_space<vmem>>
    %dma_start3A_35 = arith.constant 0 : i32
    %dma_start3A_36 = tpu.memref_slice %arg11[%mul3A_31, %dma_start3A_35] : memref<524288x128xf32, #tpu.memory_space<hbm>> -> memref<342x128xf32, #tpu.memory_space<hbm>>
    %dma_start3A_37 = arith.constant 0 : i32
    %dma_start3A_38 = tpu.memref_slice %arg11[%mul3A_31, %dma_start3A_37] : memref<524288x128xf32, #tpu.memory_space<hbm>> -> memref<342x128xf32, #tpu.memory_space<hbm>>
    %dma_start3A_39 = arith.constant 0 : i32
    %dma_start3A_40 = arith.constant 0 : i32
    %dma_start3A_41 = tpu.memref_slice %arg14[%dma_start3A_39, %dma_start3A_40] : memref<344x128xf32, #tpu.memory_space<vmem>> -> memref<342x128xf32, #tpu.memory_space<vmem>>
    tpu.enqueue_dma source(%dma_start3A_41 : memref<342x128xf32, #tpu.memory_space<vmem>>) target(%dma_start3A_38 : memref<342x128xf32, #tpu.memory_space<hbm>>) target_semaphore(%arg18 : memref<!tpu.dma_semaphore, #tpu.memory_space<semaphore_mem>>)
    %mul3A_42 = arith.constant 512 : i32
    %mul3A_43 = arith.muli %add3A_29, %mul3A_42 : i32
    %add3A_44 = arith.constant 342 : i32
    %add3A_45 = arith.addi %mul3A_43, %add3A_44 : i32
    %dma_start3A_46 = arith.constant 0 : i32
    %dma_start3A_47 = tpu.memref_slice %arg11[%add3A_45, %dma_start3A_46] : memref<524288x128xf32, #tpu.memory_space<hbm>> -> memref<170x128xf32, #tpu.memory_space<hbm>>
    %dma_start3A_48 = arith.constant 0 : i32
    %dma_start3A_49 = tpu.memref_slice %arg11[%add3A_45, %dma_start3A_48] : memref<524288x128xf32, #tpu.memory_space<hbm>> -> memref<170x128xf32, #tpu.memory_space<hbm>>
    tpu.enqueue_dma source(%arg13 : memref<170x128xf32, #tpu.memory_space<vmem>>) target(%dma_start3A_49 : memref<170x128xf32, #tpu.memory_space<hbm>>) target_semaphore(%arg18 : memref<!tpu.dma_semaphore, #tpu.memory_space<semaphore_mem>>)
    %dma_wait3A_50 = arith.constant 31 : i32
    %dma_wait3A_51 = arith.constant 0 : i32
    %dma_wait3A_52 = tpu.memref_slice %arg12[%dma_wait3A_50, %dma_wait3A_51] : memref<32x344xi32, #tpu.memory_space<vmem>> -> memref<1x344xi32, #tpu.memory_space<vmem>>
    %dma_wait3A_53 = tpu.memref_squeeze %dma_wait3A_52 : memref<1x344xi32, #tpu.memory_space<vmem>> -> memref<344xi32, #tpu.memory_space<vmem>>
    %dma_wait3A_54 = arith.constant 0 : i32
    %dma_wait3A_55 = arith.constant 0 : i32
    %dma_wait3A_56 = tpu.memref_slice %arg3[%dma_wait3A_54, %dma_wait3A_55] : memref<100000x128xf32, #tpu.memory_space<hbm>> -> memref<100000x128xf32, #tpu.memory_space<hbm>>
    tpu.wait_indirect_dma semaphore(%arg17 : memref<!tpu.dma_semaphore, #tpu.memory_space<semaphore_mem>>) src(%dma_wait3A_56 : memref<100000x128xf32, #tpu.memory_space<hbm>>) dst(%arg15 : memref<344x128xf32, #tpu.memory_space<vmem>>)
    %add3A_57 = arith.constant 31 : i32
    %add3A_58 = arith.addi %mul3A_2, %add3A_57 : i32
    %mul3A_59 = arith.constant 512 : i32
    %mul3A_60 = arith.muli %add3A_58, %mul3A_59 : i32
    %dma_start3A_61 = arith.constant 0 : i32
    %dma_start3A_62 = arith.constant 0 : i32
    %dma_start3A_63 = tpu.memref_slice %arg15[%dma_start3A_61, %dma_start3A_62] : memref<344x128xf32, #tpu.memory_space<vmem>> -> memref<342x128xf32, #tpu.memory_space<vmem>>
    %dma_start3A_64 = arith.constant 0 : i32
    %dma_start3A_65 = tpu.memref_slice %arg11[%mul3A_60, %dma_start3A_64] : memref<524288x128xf32, #tpu.memory_space<hbm>> -> memref<342x128xf32, #tpu.memory_space<hbm>>
    %dma_start3A_66 = arith.constant 0 : i32
    %dma_start3A_67 = tpu.memref_slice %arg11[%mul3A_60, %dma_start3A_66] : memref<524288x128xf32, #tpu.memory_space<hbm>> -> memref<342x128xf32, #tpu.memory_space<hbm>>
    %dma_start3A_68 = arith.constant 0 : i32
    %dma_start3A_69 = arith.constant 0 : i32
    %dma_start3A_70 = tpu.memref_slice %arg15[%dma_start3A_68, %dma_start3A_69] : memref<344x128xf32, #tpu.memory_space<vmem>> -> memref<342x128xf32, #tpu.memory_space<vmem>>
    tpu.enqueue_dma source(%dma_start3A_70 : memref<342x128xf32, #tpu.memory_space<vmem>>) target(%dma_start3A_67 : memref<342x128xf32, #tpu.memory_space<hbm>>) target_semaphore(%arg19 : memref<!tpu.dma_semaphore, #tpu.memory_space<semaphore_mem>>)
    %mul3A_71 = arith.constant 512 : i32
    %mul3A_72 = arith.muli %add3A_58, %mul3A_71 : i32
    %add3A_73 = arith.constant 342 : i32
    %add3A_74 = arith.addi %mul3A_72, %add3A_73 : i32
    %dma_start3A_75 = arith.constant 0 : i32
    %dma_start3A_76 = tpu.memref_slice %arg11[%add3A_74, %dma_start3A_75] : memref<524288x128xf32, #tpu.memory_space<hbm>> -> memref<170x128xf32, #tpu.memory_space<hbm>>
    %dma_start3A_77 = arith.constant 0 : i32
    %dma_start3A_78 = tpu.memref_slice %arg11[%add3A_74, %dma_start3A_77] : memref<524288x128xf32, #tpu.memory_space<hbm>> -> memref<170x128xf32, #tpu.memory_space<hbm>>
    tpu.enqueue_dma source(%arg13 : memref<170x128xf32, #tpu.memory_space<vmem>>) target(%dma_start3A_78 : memref<170x128xf32, #tpu.memory_space<hbm>>) target_semaphore(%arg19 : memref<!tpu.dma_semaphore, #tpu.memory_space<semaphore_mem>>)
    %add3A_79 = arith.constant 30 : i32
    %add3A_80 = arith.addi %mul3A_2, %add3A_79 : i32
    %mul3A_81 = arith.constant 512 : i32
    %mul3A_82 = arith.muli %add3A_80, %mul3A_81 : i32
    %dma_wait3A_83 = arith.constant 0 : i32
    %dma_wait3A_84 = arith.constant 0 : i32
    %dma_wait3A_85 = tpu.memref_slice %arg14[%dma_wait3A_83, %dma_wait3A_84] : memref<344x128xf32, #tpu.memory_space<vmem>> -> memref<342x128xf32, #tpu.memory_space<vmem>>
    %dma_wait3A_86 = arith.constant 0 : i32
    %dma_wait3A_87 = tpu.memref_slice %arg11[%mul3A_82, %dma_wait3A_86] : memref<524288x128xf32, #tpu.memory_space<hbm>> -> memref<342x128xf32, #tpu.memory_space<hbm>>
    %dma_wait3A_88 = arith.constant 0 : i32
    %dma_wait3A_89 = tpu.memref_slice %arg11[%mul3A_82, %dma_wait3A_88] : memref<524288x128xf32, #tpu.memory_space<hbm>> -> memref<342x128xf32, #tpu.memory_space<hbm>>
    %dma_wait3A_90 = arith.constant 0 : i32
    %dma_wait3A_91 = arith.constant 0 : i32
    %dma_wait3A_92 = tpu.memref_slice %arg14[%dma_wait3A_90, %dma_wait3A_91] : memref<344x128xf32, #tpu.memory_space<vmem>> -> memref<342x128xf32, #tpu.memory_space<vmem>>
    tpu.wait_dma2 semaphore(%arg18 : memref<!tpu.dma_semaphore, #tpu.memory_space<semaphore_mem>>) src(%dma_wait3A_92 : memref<342x128xf32, #tpu.memory_space<vmem>>) dst(%dma_wait3A_89 : memref<342x128xf32, #tpu.memory_space<hbm>>)
    %mul3A_93 = arith.constant 512 : i32
    %mul3A_94 = arith.muli %add3A_80, %mul3A_93 : i32
    %add3A_95 = arith.constant 342 : i32
    %add3A_96 = arith.addi %mul3A_94, %add3A_95 : i32
    %dma_wait3A_97 = arith.constant 0 : i32
    %dma_wait3A_98 = tpu.memref_slice %arg11[%add3A_96, %dma_wait3A_97] : memref<524288x128xf32, #tpu.memory_space<hbm>> -> memref<170x128xf32, #tpu.memory_space<hbm>>
    %dma_wait3A_99 = arith.constant 0 : i32
    %dma_wait3A_100 = tpu.memref_slice %arg11[%add3A_96, %dma_wait3A_99] : memref<524288x128xf32, #tpu.memory_space<hbm>> -> memref<170x128xf32, #tpu.memory_space<hbm>>
    tpu.wait_dma2 semaphore(%arg18 : memref<!tpu.dma_semaphore, #tpu.memory_space<semaphore_mem>>) src(%arg13 : memref<170x128xf32, #tpu.memory_space<vmem>>) dst(%dma_wait3A_100 : memref<170x128xf32, #tpu.memory_space<hbm>>)
    %add3A_101 = arith.constant 31 : i32
    %add3A_102 = arith.addi %mul3A_2, %add3A_101 : i32
    %mul3A_103 = arith.constant 512 : i32
    %mul3A_104 = arith.muli %add3A_102, %mul3A_103 : i32
    %dma_wait3A_105 = arith.constant 0 : i32
    %dma_wait3A_106 = arith.constant 0 : i32
    %dma_wait3A_107 = tpu.memref_slice %arg15[%dma_wait3A_105, %dma_wait3A_106] : memref<344x128xf32, #tpu.memory_space<vmem>> -> memref<342x128xf32, #tpu.memory_space<vmem>>
    %dma_wait3A_108 = arith.constant 0 : i32
    %dma_wait3A_109 = tpu.memref_slice %arg11[%mul3A_104, %dma_wait3A_108] : memref<524288x128xf32, #tpu.memory_space<hbm>> -> memref<342x128xf32, #tpu.memory_space<hbm>>
    %dma_wait3A_110 = arith.constant 0 : i32
    %dma_wait3A_111 = tpu.memref_slice %arg11[%mul3A_104, %dma_wait3A_110] : memref<524288x128xf32, #tpu.memory_space<hbm>> -> memref<342x128xf32, #tpu.memory_space<hbm>>
    %dma_wait3A_112 = arith.constant 0 : i32
    %dma_wait3A_113 = arith.constant 0 : i32
    %dma_wait3A_114 = tpu.memref_slice %arg15[%dma_wait3A_112, %dma_wait3A_113] : memref<344x128xf32, #tpu.memory_space<vmem>> -> memref<342x128xf32, #tpu.memory_space<vmem>>
    tpu.wait_dma2 semaphore(%arg19 : memref<!tpu.dma_semaphore, #tpu.memory_space<semaphore_mem>>) src(%dma_wait3A_114 : memref<342x128xf32, #tpu.memory_space<vmem>>) dst(%dma_wait3A_111 : memref<342x128xf32, #tpu.memory_space<hbm>>)
    %mul3A_115 = arith.constant 512 : i32
    %mul3A_116 = arith.muli %add3A_102, %mul3A_115 : i32
    %add3A_117 = arith.constant 342 : i32
    %add3A_118 = arith.addi %mul3A_116, %add3A_117 : i32
    %dma_wait3A_119 = arith.constant 0 : i32
    %dma_wait3A_120 = tpu.memref_slice %arg11[%add3A_118, %dma_wait3A_119] : memref<524288x128xf32, #tpu.memory_space<hbm>> -> memref<170x128xf32, #tpu.memory_space<hbm>>
    %dma_wait3A_121 = arith.constant 0 : i32
    %dma_wait3A_122 = tpu.memref_slice %arg11[%add3A_118, %dma_wait3A_121] : memref<524288x128xf32, #tpu.memory_space<hbm>> -> memref<170x128xf32, #tpu.memory_space<hbm>>
    tpu.wait_dma2 semaphore(%arg19 : memref<!tpu.dma_semaphore, #tpu.memory_space<semaphore_mem>>) src(%arg13 : memref<170x128xf32, #tpu.memory_space<vmem>>) dst(%dma_wait3A_122 : memref<170x128xf32, #tpu.memory_space<hbm>>)
    return
  }
}

</mosaic_0001>

<sc_bundles>
// kernel: kernel.3.cloned.1.call-start
scs
__scs_entry_jumppad:
0x0: {  	(pc) =	sbr.rel $0x88, $3  }
0x1: {  	(tag) =	ssettag $0x0;
	lr =	simm.s32 $0x1  }
0x2: {  	[smem:$0x3F98] =	sst lr;
	_ =	strace $0xD0000000  }
0x3: {  	_ = 	snop  }
0x4: {  	_ = 	snop  }
0x5: {  	_ = 	snop  }
0x6: {  	_ = 	snop  }
0x7: {  	_ = 	snop  }
__scs_overlays_trampoline_lowered:
0x8: {  	[smem:$0x3FA7] =	sst s0  }
0x9: {  	[smem:$0x3FA8] =	sst s1  }
0xa: {  	[smem:$0x3FA9] =	sst s2  }
0xb: {  	[smem:$0x3FAA] =	sst s3  }
0xc: {  	[smem:$0x3FAB] =	sst s4  }
0xd: {  	[smem:$0x3FAC] =	sst s5  }
0xe: {  	[smem:$0x3FAD] =	sst s6  }
0xf: {  	[smem:$0x3FAE] =	sst s7  }
0x10: {  	[smem:$0x3FAF] =	sst s8  }
0x11: {  	[smem:$0x3FB0] =	sst s9;
	s0 =	simm.s32 @!p0 $0x0  }
0x12: {  	s1 =	sld [smem:$0x3F96];
	s0 =	simm.s32 @p0 $0x1  }
0x13: {  	[smem:$0x3FB1] =	sst s0;
	s0 =	simm.s32 @!p1 $0x0  }
0x14: {  	s2 =	sld [smem:$0x3F95];
	s0 =	simm.s32 @p1 $0x1  }
0x15: {  	[smem:$0x3FB2] =	sst s0;
	s0 =	simm.s32 @!p2 $0x0  }
0x16: {  	s3 =	sld [smem:$0x3FDB];
	s0 =	simm.s32 @p2 $0x1  }
0x17: {  	s4 =	simm.s32 $0x1BF5;
	[smem:$0x3FB4] =	sst s0  }
0x18: {  	s0 =	sld [smem:$0x3F97];
	_ =	swait.ge [sflag:s4], $0x0  }
0x19: {  	s7 =	sld [smem:$0x3F98]  }
0x1a: {  	s8 =	sadd.s32 $0xFFFFE003, lr  }
0x1b: {  	s9 =	sadd.s32 $0xFFFFFEF7, lr;
	s5 =	simm.s32 $0xFFFFFFFF;
	p2 =	slt.u32 s8, $0xFFFFF086  }
0x1c: {  	p1 =	slt.u32 s9, $0xF7A;
	s5 =	simm.s32 @!p2 $0x0  }
0x1d: {  	s5 =	simm.s32 @p1 $0x1;
	p0 =	seq.s32 s7, s2  }
0x1e: {  	s7 =	smul.u32 @!p0 $0xF7A, s2;
	p2 =	seq.s32 @!p0 s5, $0x0  }
0x1f: {  	s9 =	smul.u32 $0xF7A, s1;
	s8 =	simm.s32 @!p0 $0x1BF5;
	p2 =	por !p2, p0  }
0x20: {  	[sflag:s8] =	ssyncset.s32 @!p0 $0xFFFFF086;
	s6 =	sadd.s32 @!p0 s3, s7;
	s7 =	simm.s32 @!p0 $0x108  }
0x21: {  	s3 =	sadd.s32 s3, s9;
	s6 =	sadd.s32 @!p0 $0x88, s6;
	s7 =	simm.s32 @p2 $0x1082  }
0x22: {  	[simem:s7], [sflag:s8] =	dma.local @!p0 [hbm:s6], $0xF7A  }
0x23: {  	s9 =	sor.u32 $0xD0000000, s2;
	s6 =	simm.s32 $0x108;
	_ =	swait.ge @!p0 [sflag:s8], $0x0  }
0x24: {  	s3 =	sadd.s32 $0x88, s3;
	s6 =	simm.s32 @!p1 $0x1082;
	[sflag:s4] =	ssyncset.s32 $0xFFFFF086  }
0x25: {  	[simem:s6], [sflag:s4] =	dma.local [hbm:s3], $0xF7A  }
0x26: {  	[smem:$0x3F98] =	sst s1;
	(tag) =	ssettag s2;
	_ =	strace s9  }
0x27: {  	s1 =	sld [smem:$0x3FA8]  }
0x28: {  	s2 =	sld [smem:$0x3FA9]  }
0x29: {  	s4 =	sld [smem:$0x3FAB]  }
0x2a: {  	p0 =	seq.s32 s5, $0x0;
	s5 =	sld [smem:$0x3FAC]  }
0x2b: {  	s6 =	sld [smem:$0x3FAD]  }
0x2c: {  	s7 =	sld [smem:$0x3FAE]  }
0x2d: {  	s3 =	simm.s32 $0x108;
	s8 =	sld [smem:$0x3FAF]  }
0x2e: {  	s3 =	simm.s32 @!p0 $0x1082;
	s9 =	sld [smem:$0x3FB0]  }
0x2f: {  	lr =	sadd.s32 s0, s3;
	s0 =	sld [smem:$0x3FA7]  }
0x30: {  	s3 =	sld [smem:$0x3FAA]  }
0x31: {  	[smem:$0x3FB3] =	sst s10  }
0x32: {  	s10 =	sld [smem:$0x3FB1];
	_ =	sdelay $0x3  }
0x33: {  	p0 =	seq.s32 s10, $0x1;
	s10 =	sld [smem:$0x3FB3];
	_ =	sdelay $0x3  }
0x34: {  	[smem:$0x3FB3] =	sst s10  }
0x35: {  	s10 =	sld [smem:$0x3FB2];
	_ =	sdelay $0x3  }
0x36: {  	p1 =	seq.s32 s10, $0x1;
	s10 =	sld [smem:$0x3FB3];
	_ =	sdelay $0x3  }
0x37: {  	[smem:$0x3FB3] =	sst s10  }
0x38: {  	s10 =	sld [smem:$0x3FB4]  }
0x39: {  	_ = 	snop;
	(pc) =	sbr.ind lr, $3  }
0x3a: {  	_ = 	snop  }
0x3b: {  	_ = 	snop  }
0x3c: {  	p2 =	seq.s32 s10, $0x1;
	s10 =	sld [smem:$0x3FB3]  }
0x3d: {  	_ =	shalt  }
0x3e: {  	_ =	shalt  }
0x3f: {  	_ =	shalt  }
0x40: {  	_ =	shalt  }
0x41: {  	_ =	shalt  }
0x42: {  	_ =	shalt  }
0x43: {  	_ =	shalt  }
0x44: {  	_ =	shalt  }
0x45: {  	_ =	shalt  }
0x46: {  	_ =	shalt  }
0x47: {  	_ =	shalt  }
0x48: {  	_ =	shalt  }
0x49: {  	_ =	shalt  }
0x4a: {  	_ =	shalt  }
0x4b: {  	_ =	shalt  }
0x4c: {  	_ =	shalt  }
0x4d: {  	_ =	shalt  }
0x4e: {  	_ =	shalt  }
0x4f: {  	_ =	shalt  }
0x50: {  	_ =	shalt  }
0x51: {  	_ =	shalt  }
0x52: {  	_ =	shalt  }
0x53: {  	_ =	shalt  }
0x54: {  	_ =	shalt  }
0x55: {  	_ =	shalt  }
0x56: {  	_ =	shalt  }
0x57: {  	_ =	shalt  }
0x58: {  	_ =	shalt  }
0x59: {  	_ =	shalt  }
0x5a: {  	_ =	shalt  }
0x5b: {  	_ =	shalt  }
0x5c: {  	_ =	shalt  }
0x5d: {  	_ =	shalt  }
0x5e: {  	_ =	shalt  }
0x5f: {  	_ =	shalt  }
0x60: {  	_ =	shalt  }
0x61: {  	_ =	shalt  }
0x62: {  	_ =	shalt  }
0x63: {  	_ =	shalt  }
0x64: {  	_ =	shalt  }
0x65: {  	_ =	shalt  }
0x66: {  	_ =	shalt  }
0x67: {  	_ =	shalt  }
0x68: {  	_ =	shalt  }
0x69: {  	_ =	shalt  }
0x6a: {  	_ =	shalt  }
0x6b: {  	_ =	shalt  }
0x6c: {  	_ =	shalt  }
0x6d: {  	_ =	shalt  }
0x6e: {  	_ =	shalt  }
0x6f: {  	_ =	shalt  }
0x70: {  	_ =	shalt  }
0x71: {  	_ =	shalt  }
0x72: {  	_ =	shalt  }
0x73: {  	_ =	shalt  }
0x74: {  	_ =	shalt  }
0x75: {  	_ =	shalt  }
0x76: {  	_ =	shalt  }
0x77: {  	_ =	shalt  }
0x78: {  	_ =	shalt  }
0x79: {  	_ =	shalt  }
0x7a: {  	_ =	shalt  }
0x7b: {  	_ =	shalt  }
0x7c: {  	_ =	shalt  }
0x7d: {  	_ =	shalt  }
0x7e: {  	_ =	shalt  }
0x7f: {  	_ =	shalt  }
0x80: {  	_ =	shalt  }
0x81: {  	_ =	shalt  }
0x82: {  	_ =	shalt  }
0x83: {  	_ =	shalt  }
0x84: {  	_ =	shalt  }
0x85: {  	_ =	shalt  }
0x86: {  	_ =	shalt  }
0x87: {  	_ =	shalt  }
.Lfunc_end0:
.L_simem_size_0:
called_computation_lowered:
.L_overlay_start_0:
0x88: {  	s2 =	sld [smem:$0x3FD9]  }
0x89: {  	s3 =	sld [smem:$0x3FFE];
	_ =	sdelay $0x1  }
0x8a: {  	s1 =	srdreg.scid  }
0x8b: {  	s0 =	sand.u32 $0x1, s1  }
0x8c: {  	s17 =	sshll.u32 s0, $0xA;
	s2 =	sadd.s32 s3, s2  }
0x8d: {  	s2 =	sadd.s32 s2, s17  }
0x8e: {  	[smem:$0x3FBF] =	sst s2  }
0x8f: {  	_ = 	snop  }
0x90: {  	s2 =	sld [smem:$0x3FC8]  }
0x91: {  	s18 =	sld [smem:$0x3FC7]  }
0x92: {  	s4 =	sld [smem:$0x3FC6]  }
0x93: {  	s5 =	sld [smem:$0x3FC5]  }
0x94: {  	s6 =	sld [smem:$0x3FC4]  }
0x95: {  	s7 =	sld [smem:$0x3FC3]  }
0x96: {  	s8 =	sld [smem:$0x3FC2]  }
0x97: {  	s9 =	sld [smem:$0x3FC1]  }
0x98: {  	s10 =	sld [smem:$0x3FD0];
	(tm) =	ssettm $0x1  }
0x99: {  	s11 =	sld [smem:$0x3FFB];
	_ =	sdelay $0x3  }
0x9a: {  	_ =	strace s11  }
0x9b: {  	s11 =	sld [smem:$0x3FFC];
	_ =	sdelay $0x3  }
0x9c: {  	_ =	strace s11  }
0x9d: {  	s11 =	sld [smem:$0x3FFD];
	_ =	sdelay $0x3  }
0x9e: {  	_ =	strace s11  }
0x9f: {  	_ =	strace $0x8FFFFFFF  }
0xa0: {  	s19 =	sld [smem:$0x3FDB];
	_ =	sdelay $0x1  }
0xa1: {  	s12 =	simm.s32 $_scs_section_size  }
0xa2: {  	s13 =	simm.s32 $_size__tile_overlayer_lowered;
	s14 =	simm.s32 $_tile_overlayer_lowered  }
0xa3: {  	s22 =	simm.s32 $0x1BFF;
	s21 =	sshll.u32 s14, $0x1;
	s11 =	sadd.s32 s12, s19  }
0xa4: {  	s15 =	simm.s32 $0x0;
	s20 =	sshll.u32 s13, $0x1;
	s13 =	sadd.s32 s21, s11  }
0xa5: {  	[timem:s15], [sflag:s22] =	dma.local [hbm:s13], s20  }
0xa6: {  	_ =	swait.ge [sflag:s22], s20  }
0xa7: {  	s12 =	ssub.s32 $0x0, s20;
	[sflag:s22] =	ssyncset.done $0x0  }
0xa8: {  	[sflag:s22] =	ssyncadd.s32 s12;
	_ =	sdelay $0x1  }
0xa9: {  	s23 =	simm.s32 $0x1B8B  }
0xaa: {  	_ =	swait.ge [sflag:s23], $0x1  }
0xab: {  	[sflag:s23] =	ssyncset.done $0x0  }
0xac: {  	s25 =	simm.s32 $0x1B8E;
	s24 =	sld [smem:$0x3FFE];
	[sflag:s23] =	ssyncadd.s32 $0xFFFFFFFF  }
0xad: {  	s26 =	simm.s32 $execute0_lowered;
	[smem:$0x3FD2] =	sst s25  }
0xae: {  	s13 =	sshll.u32 s26, $0x1;
	_ =	strace $0x80000046;
	[dreg:$0x1] =	wrdreg $0xFFFFFFFF  }
0xaf: {  	s28 =	simm.s32 $_size_execute0_lowered;
	s11 =	sadd.s32 s11, s13;
	[dreg:$0x0] =	wrdreg $0x0  }
0xb0: {  	s13 =	sshll.u32 s28, $0x1;
	[dreg:$0x2] =	wrdreg s11  }
0xb1: {  	[dreg:$0x3] =	wrdreg s13  }
0xb2: {  	[dreg:$0x4] =	wrdreg $0xC0  }
0xb3: {  	_ =	task [dreg:s15], $0x5FFFF  }
0xb4: {  	[dreg:$0x1] =	wrdreg $0xFFFFFFFF  }
0xb5: {  	[dreg:$0x0] =	wrdreg $0x60  }
0xb6: {  	[dreg:$0x2] =	wrdreg s24  }
0xb7: {  	[dreg:$0x3] =	wrdreg s2  }
0xb8: {  	[dreg:$0x4] =	wrdreg s18  }
0xb9: {  	[dreg:$0x5] =	wrdreg s4  }
0xba: {  	[dreg:$0x6] =	wrdreg s5  }
0xbb: {  	[dreg:$0x7] =	wrdreg s6  }
0xbc: {  	[dreg:$0x8] =	wrdreg s7  }
0xbd: {  	[dreg:$0x9] =	wrdreg s8  }
0xbe: {  	[dreg:$0xa] =	wrdreg s9  }
0xbf: {  	[dreg:$0xb] =	wrdreg s10  }
0xc0: {  	[dreg:$0xc] =	wrdreg $0x9  }
0xc1: {  	_ =	task.clear_ibuf [dreg:s15], $0xDFFFF;
	_ =	strace $0x90000046  }
0xc2: {  	s29 =	simm.s32 $0x9;
	_ =	strace $0x80000048  }
0xc3: {  	_ =	swait.ge [sflag:s29], $0x1  }
0xc4: {  	[sflag:s29] =	ssyncadd.s32 $0xFFFFFFFF  }
0xc5: {  	_ =	strace $0x90000048  }
0xc6: {  	_ =	sfence  }
0xc7: {  	s30 =	sld [smem:$0x0];
	_ =	sdelay $0x2  }
0xc8: {  	s31 =	sshll.u32 s1, $0xD;
	s1 =	sshrl.u32 s1, $0x2  }
0xc9: {  	s3 =	sand.u32 $0x4000, s31;
	s1 =	sadd.s32 s1, s30  }
0xca: {  	s0 =	sor.u32 s3, s0;
	s1 =	sshll.u32 s1, $0x11  }
0xcb: {  	s0 =	sor.u32 s1, s0  }
0xcc: {  	s0 =	sadd.s32 $0x8F2B, s0  }
0xcd: {  	[sflag:s0] =	ssyncadd.remote.s32 $0x1  }
0xce: {  	_ =	sfence.sel $0xFFFF  }
0xcf: {  	[dreg:$0x0] =	wrdreg $0xFFFFFFFF;
	(pc) =	sbr.abs _section_cstart, $3  }
0xd0: {  	[dreg:$0x1] =	wrdreg $0xFFFFFFFF  }
0xd1: {  	_ =	task.clear_ibuf [dreg:s15], $0x2FFFF;
	_ =	strace $0x9FFFFFFF  }
0xd2: {  	(tm) =	ssettm $0x7FFFFFFF  }
0xd3: {  	_ =	shalt  }
tec
execute0_lowered:
.L_overlay_start_1:
0x0: {  	(tag) =	ssettag $0x1  }
0x1: {  	s1 =	rddreg [dreg:$0x0]  }
0x2: {  	s0 =	rddreg [dreg:$0x1]  }
0x3: {  	s2 =	srdreg.scid;
	s3 =	stileid.u32  }
0x4: {  	s10 =	rddreg [dreg:$0x9];
	s11 =	simm.s32 $0x0;
	s20 =	simm.s32 $0x2B00  }
0x5: {  	s21 =	simm.s32 $0x5;
	s24 =	simm.s32 $0x4D80;
	s25 =	simm.s32 $0x5E80  }
0x6: {  	s28 =	simm.s32 $0x7F80;
	s29 =	simm.s32 $0x158;
	s30 =	simm.s32 $0x8000  }
0x7: {  	s31 =	simm.s32 $0x12C00;
	s8 =	simm.s32 $0x1;
	s2 =	sand.u32 $0x1, s2  }
0x8: {  	s3 =	sshll.u32 s3, $0x6;
	[smem:$0x7FF] =	sst s11;
	s4 =	sshll.u32 s2, $0x5  }
0x9: {  	s14 =	sadd.s32 $0x1560, s10;
	s2 =	ssub.s32 $0x2, s2;
	s3 =	sor.u32 s4, s3  }
0xa: {  	_ =	strace $0x80000047;
	s5 =	sshrl.u32 s2, $0x1;
	s4 =	smul.u32 $0x2B, s3  }
0xb: {  	s2 =	ssub.s32 s2, s5;
	s12 =	sshll.u32 s3, $0xD;
	s5 =	simm.s32 $0x3  }
0xc: {  	s3 =	simm.s32 $0x0;
	s26 =	sadd.s32 s12, s10;
	s19 =	smax.u32 s2, $0x1  }
0xd: {  	s2 =	simm.s32 $0x4;
	s1 =	sadd.s32 s4, s1;
	s15 =	sadd.s32 $0x3C000, s26  }
0xe: {  	s16 =	sadd.s32 $0x3D560, s26;
	s17 =	sadd.s32 $0x3E000, s26;
	s18 =	sadd.s32 $0x3F560, s26  }
0xf: {  	s26 =	simm.s32 $0x6F00;
	s13 =	sadd.s32 $0x400, s1;
	s1 =	simm.s32 $0x2  }
.LBB2_1:
0x10: {  	s4 =	rddreg [dreg:$0x2]  }
0x11: {  	[tilespmem:s20], [sflag:$0x5] =	stream.linear.gather [hbm4b:s4+s11], $0x80, $0x38;
	[tilespmem:$0x1D800] =	vst v63  }
0x12: {  	_ =	swait.ge [sflag:s21], $0x80  }
0x13: {  	[sflag:s21] =	ssyncset.done $0x0  }
0x14: {  	[sflag:s21] =	ssyncadd.s32 $0xFFFFFF80  }
0x15: {  	s6 =	simm.s32 $0x2B80;
	s9 =	rddreg [dreg:$0x3]  }
0x16: {  	[tilespmem:s6], [sflag:$0x5] =	stream.linear.gather [hbm4b:s9+s11], $0x1100, $0x38;
	[tilespmem:$0x1D800] =	vst v63  }
0x17: {  	_ =	swait.ge [sflag:s21], $0x1100  }
0x18: {  	[sflag:s21] =	ssyncset.done $0x0  }
0x19: {  	[sflag:s21] =	ssyncadd.s32 $0xFFFFEF00  }
0x1a: {  	s23 =	simm.s32 $0x3C80;
	s22 =	rddreg [dreg:$0x4]  }
0x1b: {  	[tilespmem:s23], [sflag:$0x5] =	stream.linear.gather [hbm4b:s22+s11], $0x1100, $0x38;
	[tilespmem:$0x1D800] =	vst v63  }
0x1c: {  	_ =	swait.ge [sflag:s21], $0x1100  }
0x1d: {  	[sflag:s21] =	ssyncset.done $0x0  }
0x1e: {  	[sflag:s21] =	ssyncadd.s32 $0xFFFFEF00  }
0x1f: {  	s6 =	rddreg [dreg:$0x5]  }
0x20: {  	[tilespmem:s24], [sflag:$0x5] =	stream.linear.gather [hbm4b:s6+s11], $0x1100, $0x38;
	[tilespmem:$0x1D800] =	vst v63  }
0x21: {  	_ =	swait.ge [sflag:s21], $0x1100  }
0x22: {  	[sflag:s21] =	ssyncset.done $0x0  }
0x23: {  	[sflag:s21] =	ssyncadd.s32 $0xFFFFEF00  }
0x24: {  	s7 =	rddreg [dreg:$0x6]  }
0x25: {  	[tilespmem:s25], [sflag:$0x5] =	stream.linear.gather [hbm4b:s7+s11], $0x1080, $0x38;
	[tilespmem:$0x1D800] =	vst v63  }
0x26: {  	_ =	swait.ge [sflag:s21], $0x1080  }
0x27: {  	[sflag:s21] =	ssyncset.done $0x0  }
0x28: {  	[sflag:s21] =	ssyncadd.s32 $0xFFFFEF80  }
0x29: {  	s9 =	rddreg [dreg:$0x7]  }
0x2a: {  	[tilespmem:s26], [sflag:$0x5] =	stream.linear.gather [hbm4b:s9+s11], $0x1080, $0x38;
	[tilespmem:$0x1D800] =	vst v63  }
0x2b: {  	_ =	swait.ge [sflag:s21], $0x1080  }
0x2c: {  	[sflag:s21] =	ssyncset.done $0x0  }
0x2d: {  	[sflag:s21] =	ssyncadd.s32 $0xFFFFEF80  }
0x2e: {  	s22 =	rddreg [dreg:$0x8]  }
0x2f: {  	[tilespmem:s28], [sflag:$0x5] =	stream.linear.gather [hbm4b:s22+s11], $0x80, $0x38;
	[tilespmem:$0x1D800] =	vst v63  }
0x30: {  	_ =	swait.ge [sflag:s21], $0x80  }
0x31: {  	[sflag:s21] =	ssyncset.done $0x0  }
0x32: {  	[sflag:s21] =	ssyncadd.s32 $0xFFFFFF80  }
0x33: {  	[tilespmem:s11], [sflag:$0x5] =	stream.linear.gather [hbm4b:s13+s11], $0x2B00, $0x38;
	[tilespmem:$0x1D800] =	vst v63  }
0x34: {  	_ =	swait.ge [sflag:s21], $0x2B00  }
0x35: {  	[sflag:s21] =	ssyncset.done $0x0  }
0x36: {  	[sflag:s21] =	ssyncadd.s32 $0xFFFFD500  }
0x37: {  	[tilespmem:s30], [sflag:$0x1] =	stream.indirect.gather [hbm4b:s0+s29], $0x80, s11, s29, $0xb8;
	[tilespmem:$0x1D800] =	vst v63  }
0x38: {  	_ = 	snop  }
0x39: {  	[tilespmem:s31], [sflag:$0x2] =	stream.indirect.gather [hbm4b:s0+s29], $0x80, s29, s29, $0xb8;
	[tilespmem:$0x1D800] =	vst v63  }
0x3a: {  	_ =	swait.ge [sflag:s8], $0xAC00  }
0x3b: {  	s23 =	sor.u32 s12, s11;
	[sflag:s8] =	ssyncset.done $0x0  }
0x3c: {  	s7 =	sadd.s32 s10, s23;
	[sflag:s8] =	ssyncadd.s32 $0xFFFF5400  }
0x3d: {  	[hbm4b:s7+s11] =	stream.linear.scatter [tilespmem:s30], [sflag:$0x3], $0xAB00, $0x38;
	[tilespmem:$0x1D800] =	vst v63  }
0x3e: {  	s9 =	sadd.s32 s23, s14  }
0x3f: {  	[hbm4b:s9+s11] =	stream.linear.scatter [tilespmem:s20], [sflag:$0x3], $0x5500, $0x38;
	[tilespmem:$0x1D800] =	vst v63  }
0x40: {  	_ =	swait.ge [sflag:s5], $0xAB00  }
0x41: {  	[sflag:s5] =	ssyncset.done $0x0  }
0x42: {  	[sflag:s5] =	ssyncadd.s32 $0xFFFF5500  }
0x43: {  	_ =	swait.ge [sflag:s5], $0x5500  }
0x44: {  	[sflag:s5] =	ssyncset.done $0x0  }
0x45: {  	s22 =	simm.s32 $0x2B0;
	[sflag:s5] =	ssyncadd.s32 $0xFFFFAB00  }
0x46: {  	[tilespmem:s30], [sflag:$0x1] =	stream.indirect.gather [hbm4b:s0+s29], $0x80, s22, s29, $0xb8;
	[tilespmem:$0x1D800] =	vst v63  }
0x47: {  	_ =	swait.ge [sflag:s1], $0xAC00  }
0x48: {  	s4 =	sor.u32 $0x2000, s23;
	[sflag:s1] =	ssyncset.done $0x0  }
0x49: {  	s23 =	sadd.s32 s10, s4;
	[sflag:s1] =	ssyncadd.s32 $0xFFFF5400  }
0x4a: {  	[hbm4b:s23+s11] =	stream.linear.scatter [tilespmem:s31], [sflag:$0x4], $0xAB00, $0x38;
	[tilespmem:$0x1D800] =	vst v63  }
0x4b: {  	s4 =	sadd.s32 s4, s14  }
0x4c: {  	[hbm4b:s4+s11] =	stream.linear.scatter [tilespmem:s20], [sflag:$0x4], $0x5500, $0x38;
	[tilespmem:$0x1D800] =	vst v63  }
0x4d: {  	_ =	swait.ge [sflag:s2], $0xAB00  }
0x4e: {  	[sflag:s2] =	ssyncset.done $0x0  }
0x4f: {  	[sflag:s2] =	ssyncadd.s32 $0xFFFF5500  }
0x50: {  	_ =	swait.ge [sflag:s2], $0x5500  }
0x51: {  	s6 =	simm.s32 $0x4000;
	[sflag:s2] =	ssyncset.done $0x0  }
0x52: {  	s7 =	simm.s32 $0x6B8;
	s4 =	simm.s32 $0x408;
	[sflag:s2] =	ssyncadd.s32 $0xFFFFAB00  }
.LBB2_2:
0x53: {  	[tilespmem:s31], [sflag:$0x2] =	stream.indirect.gather [hbm4b:s0+s29], $0x80, s4, s29, $0xb8;
	[tilespmem:$0x1D800] =	vst v63  }
0x54: {  	s9 =	smov.u32 s6;
	s4 =	smov.u32 s7  }
0x55: {  	p0 =	sne.s32 s6, $0x38000;
	s6 =	sadd.s32 $0x4000, s6;
	_ =	swait.ge [sflag:s8], $0xAC00  }
0x56: {  	s9 =	sor.u32 s12, s9;
	[sflag:s8] =	ssyncset.done $0x0  }
0x57: {  	s22 =	sadd.s32 s10, s9;
	s23 =	sor.u32 $0x2000, s9;
	[sflag:s8] =	ssyncadd.s32 $0xFFFF5400  }
0x58: {  	[hbm4b:s22+s11] =	stream.linear.scatter [tilespmem:s30], [sflag:$0x3], $0xAB00, $0x38;
	[tilespmem:$0x1D800] =	vst v63  }
0x59: {  	s9 =	sadd.s32 s9, s14  }
0x5a: {  	[hbm4b:s9+s11] =	stream.linear.scatter [tilespmem:s20], [sflag:$0x3], $0x5500, $0x38;
	[tilespmem:$0x1D800] =	vst v63  }
0x5b: {  	_ =	swait.ge [sflag:s5], $0xAB00  }
0x5c: {  	[sflag:s5] =	ssyncset.done $0x0  }
0x5d: {  	[sflag:s5] =	ssyncadd.s32 $0xFFFF5500  }
0x5e: {  	_ =	swait.ge [sflag:s5], $0x5500  }
0x5f: {  	[sflag:s5] =	ssyncset.done $0x0  }
0x60: {  	s9 =	sadd.s32 $0xFFFFFEA8, s7;
	[sflag:s5] =	ssyncadd.s32 $0xFFFFAB00  }
0x61: {  	[tilespmem:s30], [sflag:$0x1] =	stream.indirect.gather [hbm4b:s0+s29], $0x80, s9, s29, $0xb8;
	[tilespmem:$0x1D800] =	vst v63  }
0x62: {  	_ =	swait.ge [sflag:s1], $0xAC00  }
0x63: {  	[sflag:s1] =	ssyncset.done $0x0  }
0x64: {  	s9 =	sadd.s32 s10, s23;
	[sflag:s1] =	ssyncadd.s32 $0xFFFF5400  }
0x65: {  	[hbm4b:s9+s11] =	stream.linear.scatter [tilespmem:s31], [sflag:$0x4], $0xAB00, $0x38;
	[tilespmem:$0x1D800] =	vst v63  }
0x66: {  	s9 =	sadd.s32 s23, s14  }
0x67: {  	[hbm4b:s9+s11] =	stream.linear.scatter [tilespmem:s20], [sflag:$0x4], $0x5500, $0x38;
	[tilespmem:$0x1D800] =	vst v63  }
0x68: {  	_ =	swait.ge [sflag:s2], $0xAB00  }
.Ltmp0:
0x69: {  	[sflag:s2] =	ssyncset.done $0x0;
	(pc) =	sbr.rel @p0 .LBB2_2-.Ltmp0, $4  }
0x6a: {  	[sflag:s2] =	ssyncadd.s32 $0xFFFF5500  }
0x6b: {  	_ =	swait.ge [sflag:s2], $0x5500  }
0x6c: {  	[sflag:s2] =	ssyncset.done $0x0  }
0x6d: {  	s7 =	sadd.s32 $0x2B0, s7;
	[sflag:s2] =	ssyncadd.s32 $0xFFFFAB00  }
0x6e: {  	[tilespmem:s31], [sflag:$0x2] =	stream.indirect.gather [hbm4b:s0+s29], $0x80, s4, s29, $0xb8;
	[tilespmem:$0x1D800] =	vst v63  }
0x6f: {  	_ =	swait.ge [sflag:s8], $0xAC00  }
0x70: {  	[sflag:s8] =	ssyncset.done $0x0  }
0x71: {  	[sflag:s8] =	ssyncadd.s32 $0xFFFF5400  }
0x72: {  	[hbm4b:s15+s11] =	stream.linear.scatter [tilespmem:s30], [sflag:$0x3], $0xAB00, $0x38;
	[tilespmem:$0x1D800] =	vst v63  }
0x73: {  	_ = 	snop  }
0x74: {  	[hbm4b:s16+s11] =	stream.linear.scatter [tilespmem:s20], [sflag:$0x3], $0x5500, $0x38;
	[tilespmem:$0x1D800] =	vst v63  }
0x75: {  	_ =	swait.ge [sflag:s1], $0xAC00  }
0x76: {  	[sflag:s1] =	ssyncset.done $0x0  }
0x77: {  	[sflag:s1] =	ssyncadd.s32 $0xFFFF5400  }
0x78: {  	[hbm4b:s17+s11] =	stream.linear.scatter [tilespmem:s31], [sflag:$0x4], $0xAB00, $0x38;
	[tilespmem:$0x1D800] =	vst v63  }
0x79: {  	_ = 	snop  }
0x7a: {  	[hbm4b:s18+s11] =	stream.linear.scatter [tilespmem:s20], [sflag:$0x4], $0x5500, $0x38;
	[tilespmem:$0x1D800] =	vst v63  }
0x7b: {  	_ =	swait.ge [sflag:s5], $0xAB00  }
0x7c: {  	[sflag:s5] =	ssyncset.done $0x0  }
0x7d: {  	[sflag:s5] =	ssyncadd.s32 $0xFFFF5500  }
0x7e: {  	_ =	swait.ge [sflag:s5], $0x5500  }
0x7f: {  	[sflag:s5] =	ssyncset.done $0x0  }
0x80: {  	s3 =	sadd.s32 $0x1, s3;
	[sflag:s5] =	ssyncadd.s32 $0xFFFFAB00  }
0x81: {  	p0 =	sne.s32 s3, s19;
	_ =	swait.ge [sflag:s2], $0xAB00  }
.Ltmp1:
0x82: {  	[sflag:s2] =	ssyncset.done $0x0;
	(pc) =	sbr.rel @p0 .LBB2_1-.Ltmp1, $4  }
0x83: {  	[sflag:s2] =	ssyncadd.s32 $0xFFFF5500  }
0x84: {  	_ =	swait.ge [sflag:s2], $0x5500  }
0x85: {  	[sflag:s2] =	ssyncset.done $0x0  }
0x86: {  	[sflag:s2] =	ssyncadd.s32 $0xFFFFAB00  }
0x87: {  	_ =	sfence.sel $0x180000  }
0x88: {  	[bflag:$0x0] =	sbarrier.arrive $0xFFFF  }
0x89: {  	_ =	strace $0x90000047  }
0x8a: {  	s0 =	stileid.u32;
	[bflag:$0x2] =	sbarrier.arrive $0xFFFF  }
0x8b: {  	p0 =	sne.s32 s0, $0x0;
	s0 =	rddreg [dreg:$0xa]  }
0x8c: {  	s0 =	sadd.s32 @!p0 $0x100000, s0  }
0x8d: {  	[sflag:s0] =	ssyncadd.tile.s32 @!p0 $0x1;
	_ =	shalt  }
.Lfunc_end2:
_tile_overlayer_lowered:
.L_overlay_start_2:
0x8e: {  	(tag) =	ssettag $0x2  }
0x8f: {  	s0 =	rddreg [dreg:$0x0];
	s2 =	stileid.u32  }
0x90: {  	s1 =	rddreg [dreg:$0x1];
	p0 =	sne.s32 s2, $0x0  }
0x91: {  	s3 =	rddreg [dreg:$0x2];
	[bflag:$0x3] =	sbarrier.arrive $0xFFFF;
	s2 =	simm.s32 @!p0 $0x1C05  }
0x92: {  	[timem:s3], [sflag:s2] =	dma.local @!p0 [hbm:s0], s1  }
0x93: {  	s0 =	simm.s32 @!p0 $0x5  }
0x94: {  	_ =	swait.ge @!p0 [sflag:s0], s1  }
0x95: {  	s1 =	ssub.s32 @!p0 $0x0, s1;
	[sflag:s0] =	ssyncset.done @!p0 $0x0  }
0x96: {  	[sflag:s0] =	ssyncadd.s32 @!p0 s1  }
0x97: {  	[bflag:$0x3] =	sbarrier.arrive $0xFFFF  }
0x98: {  	_ =	shalt  }

</sc_bundles>
